<compile_context>
chip_gen: v7x
topology: tpu7x:2x2x1
jax: 0.10.2.dev20260603
libtpu: 0.0.44.dev20260713+nightly
codegen_flags: <defaults>
</compile_context>

<pallas_src>
import functools

import jax
import jax.numpy as jnp
from jax import lax
from jax.experimental import pallas as pl
from jax.experimental.pallas import tpu as pltpu
from jax.experimental.pallas import tpu_sc as plsc

_NUM_CODES = 8192
_CODE_DIM = 64
_BETA = 0.25
_EPS = 1e-08

_TM = 256


def _sc_gather_hist(indices, cb_dup):
    info = plsc.get_sparse_core_info()
    nw = info.num_cores * info.num_subcores
    n_tok = indices.shape[0]
    row_w = cb_dup.shape[1]
    per_w = n_tok // nw
    mesh = plsc.VectorSubcoreMesh(core_axis_name="c", subcore_axis_name="s")

    @functools.partial(
        pl.kernel,
        mesh=mesh,
        out_type=[
            jax.ShapeDtypeStruct((n_tok, row_w), jnp.float32),
            jax.ShapeDtypeStruct((nw, _NUM_CODES), jnp.float32),
        ],
        scratch_types=[
            pltpu.VMEM((per_w,), jnp.int32),
            pltpu.VMEM((per_w, row_w), jnp.float32),
            pltpu.VMEM((_NUM_CODES,), jnp.float32),
            pltpu.SemaphoreType.DMA,
            pltpu.SemaphoreType.DMA,
        ],
        compiler_params=pltpu.CompilerParams(needs_layout_passes=False),
    )
    def sc_kern(idx_hbm, cb_hbm, zq_hbm, pc_hbm, idx_v, rows_v, hist_v,
                sem, sem2):
        wid = lax.axis_index("s") * info.num_cores + lax.axis_index("c")
        base = wid * per_w
        pltpu.sync_copy(idx_hbm.at[pl.ds(base, per_w)], idx_v)
        gather = pltpu.async_copy(cb_hbm.at[idx_v], rows_v, sem)

        zeros = jnp.zeros((16,), jnp.float32)

        def zero(i, _):
            for u in range(4):
                hist_v[pl.ds((i * 4 + u) * 16, 16)] = zeros
            return 0
        lax.fori_loop(0, _NUM_CODES // 64, zero, 0)

        ones = jnp.ones((16,), jnp.float32)

        def accum(i, _):
            for u in range(4):
                ids = idx_v[pl.ds((i * 4 + u) * 16, 16)]
                plsc.addupdate_scatter(hist_v, [ids], ones)
            return 0
        lax.fori_loop(0, per_w // 64, accum, 0)

        gather.wait()
        wr = pltpu.async_copy(rows_v, zq_hbm.at[pl.ds(base, per_w)], sem2)
        pltpu.sync_copy(hist_v, pc_hbm.at[wid])
        wr.wait()

    return sc_kern(indices, cb_dup)


def _loss_body(zq_ref, z_ref, ls_ref):
    diff = zq_ref[:, :_CODE_DIM] - z_ref[...]
    ls_ref[...] = jnp.sum(diff * diff).reshape(1, 1, 1)


def _loss_partials(zq_pad, flat):
    n_tok = flat.shape[0]
    grid = n_tok // _TM
    return pl.pallas_call(
        _loss_body,
        grid=(grid,),
        in_specs=[
            pl.BlockSpec((_TM, zq_pad.shape[1]), lambda i: (i, 0)),
            pl.BlockSpec((_TM, _CODE_DIM), lambda i: (i, 0)),
        ],
        out_specs=pl.BlockSpec((1, 1, 1), lambda i: (i, 0, 0)),
        out_shape=jax.ShapeDtypeStruct((grid, 1, 1), jnp.float32),
        compiler_params=pltpu.CompilerParams(
            dimension_semantics=("arbitrary",)),
    )(zq_pad, flat)


def _finalize_body(pc_ref, ls_ref, perp_ref, v_ref, vq_ref):
    counts = jnp.sum(pc_ref[...], axis=0, keepdims=True)
    total = jnp.sum(counts)
    probs = counts / (total + _EPS)
    ent = -jnp.sum(probs * jnp.log(probs + _EPS))
    perp_ref[...] = jnp.exp(ent).reshape(1, 1)
    n_elem = ls_ref.shape[0] * _TM * _CODE_DIM
    v = jnp.sum(ls_ref[...]) / float(n_elem)
    v_ref[...] = v.reshape(1, 1)
    vq_ref[...] = (v + _BETA * v).reshape(1, 1)


def _finalize(pcounts, lsums):
    return pl.pallas_call(
        _finalize_body,
        out_shape=[
            jax.ShapeDtypeStruct((1, 1), jnp.float32),
            jax.ShapeDtypeStruct((1, 1), jnp.float32),
            jax.ShapeDtypeStruct((1, 1), jnp.float32),
        ],
    )(pcounts, lsums.reshape(lsums.shape[0], 1))


def kernel(z_e, codebook):
    B, L, C = z_e.shape
    flat = z_e.reshape(-1, C)
    z_norm = jnp.sum(flat ** 2, axis=1, keepdims=True)
    e_norm = jnp.sum(codebook ** 2, axis=1)[None, :]
    distances = z_norm - 2.0 * (flat @ codebook.T) + e_norm
    indices = jnp.argmin(distances, axis=1)
    cb_dup = jnp.concatenate([codebook, codebook], axis=1)
    zq_pad, pcounts = _sc_gather_hist(indices, cb_dup)
    lsums = _loss_partials(zq_pad, flat)
    perp, v, vq = _finalize(pcounts, lsums.reshape(-1))
    z_q = zq_pad[:, :C].reshape(B, L, C)
    return (z_q, z_q, indices.reshape(B, L), vq.reshape(()),
            v.reshape(()), v.reshape(()), perp.reshape(()))

# --- scband reference (transcript-rebuilt; emitter-appended) ---
"""Pipeline reference for scband-vector-quantizer-35029753266884 (READ-ONLY COPY).

The authoritative reference and input builder live on the scoring server;
editing this copy changes nothing except your own understanding.
"""

import jax, jax.numpy as jnp
import numpy as np

NUM_CODES = 8192
CODE_DIM = 64
BETA = 0.25
EPS = 1e-08


def setup_inputs(seed: int = 0) -> dict:
    key = jax.random.key(seed)
    k1, k2 = jax.random.split(key)
    z_e = jax.random.normal(k1, (16, 1024, CODE_DIM), dtype=jnp.float32)
    codebook = jax.random.uniform(
        k2, (NUM_CODES, CODE_DIM), dtype=jnp.float32,
        minval=-1.0 / NUM_CODES, maxval=1.0 / NUM_CODES)
    return {"z_e": z_e, "codebook": codebook}


def reference(z_e, codebook):
    B, L, C = z_e.shape
    flat = z_e.reshape(-1, C)
    z_norm = jnp.sum(flat ** 2, axis=1, keepdims=True)
    e_norm = jnp.sum(codebook ** 2, axis=1)[None, :]
    distances = z_norm - 2.0 * (flat @ codebook.T) + e_norm
    indices = jnp.argmin(distances, axis=1)
    z_q = jnp.take(codebook, indices, axis=0).reshape(B, L, C)
    z_q_st = z_e + jax.lax.stop_gradient(z_q - z_e)
    codebook_loss = jnp.mean((jax.lax.stop_gradient(z_q) - z_e) ** 2)
    commitment_loss = jnp.mean((z_q - jax.lax.stop_gradient(z_e)) ** 2)
    vq_loss = codebook_loss + BETA * commitment_loss
    counts = jnp.bincount(indices, length=NUM_CODES).astype(jnp.float32)
    probs = counts / (counts.sum() + EPS)
    perplexity = jnp.exp(-jnp.sum(probs * jnp.log(probs + EPS)))
    return (z_q, z_q_st, indices.reshape(B, L), vq_loss, codebook_loss, commitment_loss, perplexity)

if __name__ == "__main__":
    import jax
    _d = setup_inputs()
    print(jax.jit(kernel)(*tuple(_d.values())))

</pallas_src>

<mosaic_0001>
#map = affine_map<(d0, d1) -> (0)>
#map1 = affine_map<(d0, d1) -> (0, 0)>
module attributes {stable_mosaic.version = 14 : i64} {
  func.func @sc_kern(%arg0: i32, %arg1: i32, %arg2: memref<16384xi32, #tpu.memory_space<hbm>>, %arg3: memref<8192x128xf32, #tpu.memory_space<hbm>>, %arg4: memref<16384x128xf32, #tpu.memory_space<hbm>>, %arg5: memref<32x8192xf32, #tpu.memory_space<hbm>>, %arg6: memref<512xi32, #tpu.memory_space<vmem>>, %arg7: memref<512x128xf32, #tpu.memory_space<vmem>>, %arg8: memref<8192xf32, #tpu.memory_space<vmem>>, %arg9: memref<!tpu.dma_semaphore, #tpu.memory_space<semaphore_mem>>, %arg10: memref<!tpu.dma_semaphore, #tpu.memory_space<semaphore_mem>>) attributes {dimension_semantics = [#tpu.dimension_semantics<core_parallel>, #tpu.dimension_semantics<subcore_parallel>], iteration_bounds = array<i64: 2, 16>, scalar_prefetch = 0 : i64, scratch_operands = 5 : i64, tpu.core_type = #tpu.core_type<sc_vector_subcore>, window_params = [{transform_indices = #map}, {transform_indices = #map1}, {transform_indices = #map1}, {transform_indices = #map1}]} {
    %mul3A = arith.constant 2 : i32
    %mul3A_0 = arith.muli %arg1, %mul3A : i32
    %add3A = arith.addi %mul3A_0, %arg0 : i32
    %mul3A_1 = arith.constant 512 : i32
    %mul3A_2 = arith.muli %add3A, %mul3A_1 : i32
    "tpu.region"() ({
      %run_scoped3A = tpu.sem_alloc : memref<!tpu.dma_semaphore, #tpu.memory_space<semaphore_mem>>
      %dma_start3A_31 = tpu.memref_slice %arg2[%mul3A_2] : memref<16384xi32, #tpu.memory_space<hbm>> -> memref<512xi32, #tpu.memory_space<hbm>>
      %dma_start3A_32 = tpu.memref_slice %arg2[%mul3A_2] : memref<16384xi32, #tpu.memory_space<hbm>> -> memref<512xi32, #tpu.memory_space<hbm>>
      tpu.enqueue_dma source(%dma_start3A_32 : memref<512xi32, #tpu.memory_space<hbm>>) target(%arg6 : memref<512xi32, #tpu.memory_space<vmem>>) target_semaphore(%run_scoped3A : memref<!tpu.dma_semaphore, #tpu.memory_space<semaphore_mem>>)
      %dma_wait3A_33 = tpu.memref_slice %arg2[%mul3A_2] : memref<16384xi32, #tpu.memory_space<hbm>> -> memref<512xi32, #tpu.memory_space<hbm>>
      %dma_wait3A_34 = tpu.memref_slice %arg2[%mul3A_2] : memref<16384xi32, #tpu.memory_space<hbm>> -> memref<512xi32, #tpu.memory_space<hbm>>
      tpu.wait_dma2 semaphore(%run_scoped3A : memref<!tpu.dma_semaphore, #tpu.memory_space<semaphore_mem>>) src(%dma_wait3A_34 : memref<512xi32, #tpu.memory_space<hbm>>) dst(%arg6 : memref<512xi32, #tpu.memory_space<vmem>>)
      tpu.yield
    }) : () -> ()
    %dma_start3A = arith.constant 0 : i32
    %dma_start3A_3 = arith.constant 0 : i32
    %dma_start3A_4 = tpu.memref_slice %arg3[%dma_start3A, %dma_start3A_3] : memref<8192x128xf32, #tpu.memory_space<hbm>> -> memref<8192x128xf32, #tpu.memory_space<hbm>>
    tpu.enqueue_indirect_dma source(%dma_start3A_4 : memref<8192x128xf32, #tpu.memory_space<hbm>>) target(%arg7 : memref<512x128xf32, #tpu.memory_space<vmem>>) offsets(%arg6 : memref<512xi32, #tpu.memory_space<vmem>>) semaphore(%arg9 : memref<!tpu.dma_semaphore, #tpu.memory_space<semaphore_mem>>)
    %broadcast_in_dim3A = arith.constant 0.000000e+00 : f32
    %broadcast_in_dim3A_5 = vector.broadcast %broadcast_in_dim3A : f32 to vector<16xf32>
    %scan3A = arith.constant 0 : i32
    %scan3A_6 = arith.constant 0 : i32
    %scan3A_7 = arith.constant 128 : i32
    %scan3A_8 = arith.addi %scan3A_6, %scan3A_7 : i32
    %scan3A_9 = arith.constant 1 : i32
    %scan3A_10 = scf.for %scan3A_31 = %scan3A_6 to %scan3A_8 step %scan3A_9 iter_args(%scan3A_32 = %scan3A) -> (i32)  : i32 {
      %mul3A_33 = arith.constant 4 : i32
      %mul3A_34 = arith.muli %scan3A_31, %mul3A_33 : i32
      %add3A_35 = arith.constant 0 : i32
      %add3A_36 = arith.addi %mul3A_34, %add3A_35 : i32
      %mul3A_37 = arith.constant 16 : i32
      %mul3A_38 = arith.muli %add3A_36, %mul3A_37 : i32
      %swap3A = arith.index_cast %mul3A_38 : i32 to index
      %swap3A_39 = tpu.vector_load %arg8[%swap3A] {strides = array<i32>} : memref<8192xf32, #tpu.memory_space<vmem>>, vector<16xf32>,
      tpu.vector_store %arg8[%swap3A], %broadcast_in_dim3A_5 {strides = array<i32>} : memref<8192xf32, #tpu.memory_space<vmem>>, vector<16xf32>,
      %mul3A_40 = arith.constant 4 : i32
      %mul3A_41 = arith.muli %scan3A_31, %mul3A_40 : i32
      %add3A_42 = arith.constant 1 : i32
      %add3A_43 = arith.addi %mul3A_41, %add3A_42 : i32
      %mul3A_44 = arith.constant 16 : i32
      %mul3A_45 = arith.muli %add3A_43, %mul3A_44 : i32
      %swap3A_46 = arith.index_cast %mul3A_45 : i32 to index
      %swap3A_47 = tpu.vector_load %arg8[%swap3A_46] {strides = array<i32>} : memref<8192xf32, #tpu.memory_space<vmem>>, vector<16xf32>,
      tpu.vector_store %arg8[%swap3A_46], %broadcast_in_dim3A_5 {strides = array<i32>} : memref<8192xf32, #tpu.memory_space<vmem>>, vector<16xf32>,
      %mul3A_48 = arith.constant 4 : i32
      %mul3A_49 = arith.muli %scan3A_31, %mul3A_48 : i32
      %add3A_50 = arith.constant 2 : i32
      %add3A_51 = arith.addi %mul3A_49, %add3A_50 : i32
      %mul3A_52 = arith.constant 16 : i32
      %mul3A_53 = arith.muli %add3A_51, %mul3A_52 : i32
      %swap3A_54 = arith.index_cast %mul3A_53 : i32 to index
      %swap3A_55 = tpu.vector_load %arg8[%swap3A_54] {strides = array<i32>} : memref<8192xf32, #tpu.memory_space<vmem>>, vector<16xf32>,
      tpu.vector_store %arg8[%swap3A_54], %broadcast_in_dim3A_5 {strides = array<i32>} : memref<8192xf32, #tpu.memory_space<vmem>>, vector<16xf32>,
      %mul3A_56 = arith.constant 4 : i32
      %mul3A_57 = arith.muli %scan3A_31, %mul3A_56 : i32
      %add3A_58 = arith.constant 3 : i32
      %add3A_59 = arith.addi %mul3A_57, %add3A_58 : i32
      %mul3A_60 = arith.constant 16 : i32
      %mul3A_61 = arith.muli %add3A_59, %mul3A_60 : i32
      %swap3A_62 = arith.index_cast %mul3A_61 : i32 to index
      %swap3A_63 = tpu.vector_load %arg8[%swap3A_62] {strides = array<i32>} : memref<8192xf32, #tpu.memory_space<vmem>>, vector<16xf32>,
      tpu.vector_store %arg8[%swap3A_62], %broadcast_in_dim3A_5 {strides = array<i32>} : memref<8192xf32, #tpu.memory_space<vmem>>, vector<16xf32>,
      %scan3A_64 = arith.constant 0 : i32
      scf.yield %scan3A_64 : i32
    }
    %scan3A_11 = arith.constant 128 : i32
    %broadcast_in_dim3A_12 = arith.constant 1.000000e+00 : f32
    %broadcast_in_dim3A_13 = vector.broadcast %broadcast_in_dim3A_12 : f32 to vector<16xf32>
    %scan3A_14 = arith.constant 0 : i32
    %scan3A_15 = arith.constant 0 : i32
    %scan3A_16 = arith.constant 8 : i32
    %scan3A_17 = arith.addi %scan3A_15, %scan3A_16 : i32
    %scan3A_18 = arith.constant 1 : i32
    %scan3A_19 = scf.for %scan3A_31 = %scan3A_15 to %scan3A_17 step %scan3A_18 iter_args(%scan3A_32 = %scan3A_14) -> (i32)  : i32 {
      %mul3A_33 = arith.constant 4 : i32
      %mul3A_34 = arith.muli %scan3A_31, %mul3A_33 : i32
      %add3A_35 = arith.constant 0 : i32
      %add3A_36 = arith.addi %mul3A_34, %add3A_35 : i32
      %mul3A_37 = arith.constant 16 : i32
      %mul3A_38 = arith.muli %add3A_36, %mul3A_37 : i32
      %get3A = arith.index_cast %mul3A_38 : i32 to index
      %get3A_39 = tpu.vector_load %arg6[%get3A] {strides = array<i32>} : memref<512xi32, #tpu.memory_space<vmem>>, vector<16xi32>,
      tpu.vector_store_idx %arg8[%get3A_39], %broadcast_in_dim3A_13 {add = true} : memref<8192xf32, #tpu.memory_space<vmem>>[vector<16xi32>], vector<16xf32>,
      %mul3A_40 = arith.constant 4 : i32
      %mul3A_41 = arith.muli %scan3A_31, %mul3A_40 : i32
      %add3A_42 = arith.constant 1 : i32
      %add3A_43 = arith.addi %mul3A_41, %add3A_42 : i32
      %mul3A_44 = arith.constant 16 : i32
      %mul3A_45 = arith.muli %add3A_43, %mul3A_44 : i32
      %get3A_46 = arith.index_cast %mul3A_45 : i32 to index
      %get3A_47 = tpu.vector_load %arg6[%get3A_46] {strides = array<i32>} : memref<512xi32, #tpu.memory_space<vmem>>, vector<16xi32>,
      tpu.vector_store_idx %arg8[%get3A_47], %broadcast_in_dim3A_13 {add = true} : memref<8192xf32, #tpu.memory_space<vmem>>[vector<16xi32>], vector<16xf32>,
      %mul3A_48 = arith.constant 4 : i32
      %mul3A_49 = arith.muli %scan3A_31, %mul3A_48 : i32
      %add3A_50 = arith.constant 2 : i32
      %add3A_51 = arith.addi %mul3A_49, %add3A_50 : i32
      %mul3A_52 = arith.constant 16 : i32
      %mul3A_53 = arith.muli %add3A_51, %mul3A_52 : i32
      %get3A_54 = arith.index_cast %mul3A_53 : i32 to index
      %get3A_55 = tpu.vector_load %arg6[%get3A_54] {strides = array<i32>} : memref<512xi32, #tpu.memory_space<vmem>>, vector<16xi32>,
      tpu.vector_store_idx %arg8[%get3A_55], %broadcast_in_dim3A_13 {add = true} : memref<8192xf32, #tpu.memory_space<vmem>>[vector<16xi32>], vector<16xf32>,
      %mul3A_56 = arith.constant 4 : i32
      %mul3A_57 = arith.muli %scan3A_31, %mul3A_56 : i32
      %add3A_58 = arith.constant 3 : i32
      %add3A_59 = arith.addi %mul3A_57, %add3A_58 : i32
      %mul3A_60 = arith.constant 16 : i32
      %mul3A_61 = arith.muli %add3A_59, %mul3A_60 : i32
      %get3A_62 = arith.index_cast %mul3A_61 : i32 to index
      %get3A_63 = tpu.vector_load %arg6[%get3A_62] {strides = array<i32>} : memref<512xi32, #tpu.memory_space<vmem>>, vector<16xi32>,
      tpu.vector_store_idx %arg8[%get3A_63], %broadcast_in_dim3A_13 {add = true} : memref<8192xf32, #tpu.memory_space<vmem>>[vector<16xi32>], vector<16xf32>,
      %scan3A_64 = arith.constant 0 : i32
      scf.yield %scan3A_64 : i32
    }
    %scan3A_20 = arith.constant 8 : i32
    %dma_wait3A = arith.constant 0 : i32
    %dma_wait3A_21 = arith.constant 0 : i32
    %dma_wait3A_22 = tpu.memref_slice %arg3[%dma_wait3A, %dma_wait3A_21] : memref<8192x128xf32, #tpu.memory_space<hbm>> -> memref<8192x128xf32, #tpu.memory_space<hbm>>
    tpu.wait_indirect_dma semaphore(%arg9 : memref<!tpu.dma_semaphore, #tpu.memory_space<semaphore_mem>>) src(%dma_wait3A_22 : memref<8192x128xf32, #tpu.memory_space<hbm>>) dst(%arg7 : memref<512x128xf32, #tpu.memory_space<vmem>>)
    %dma_start3A_23 = arith.constant 0 : i32
    %dma_start3A_24 = tpu.memref_slice %arg4[%mul3A_2, %dma_start3A_23] : memref<16384x128xf32, #tpu.memory_space<hbm>> -> memref<512x128xf32, #tpu.memory_space<hbm>>
    %dma_start3A_25 = arith.constant 0 : i32
    %dma_start3A_26 = tpu.memref_slice %arg4[%mul3A_2, %dma_start3A_25] : memref<16384x128xf32, #tpu.memory_space<hbm>> -> memref<512x128xf32, #tpu.memory_space<hbm>>
    tpu.enqueue_dma source(%arg7 : memref<512x128xf32, #tpu.memory_space<vmem>>) target(%dma_start3A_26 : memref<512x128xf32, #tpu.memory_space<hbm>>) target_semaphore(%arg10 : memref<!tpu.dma_semaphore, #tpu.memory_space<semaphore_mem>>)
    "tpu.region"() ({
      %run_scoped3A = tpu.sem_alloc : memref<!tpu.dma_semaphore, #tpu.memory_space<semaphore_mem>>
      %dma_start3A_31 = arith.constant 0 : i32
      %dma_start3A_32 = tpu.memref_slice %arg5[%add3A, %dma_start3A_31] : memref<32x8192xf32, #tpu.memory_space<hbm>> -> memref<1x8192xf32, #tpu.memory_space<hbm>>
      %dma_start3A_33 = tpu.memref_squeeze %dma_start3A_32 : memref<1x8192xf32, #tpu.memory_space<hbm>> -> memref<8192xf32, #tpu.memory_space<hbm>>
      %dma_start3A_34 = arith.constant 0 : i32
      %dma_start3A_35 = tpu.memref_slice %arg5[%add3A, %dma_start3A_34] : memref<32x8192xf32, #tpu.memory_space<hbm>> -> memref<1x8192xf32, #tpu.memory_space<hbm>>
      %dma_start3A_36 = tpu.memref_squeeze %dma_start3A_35 : memref<1x8192xf32, #tpu.memory_space<hbm>> -> memref<8192xf32, #tpu.memory_space<hbm>>
      tpu.enqueue_dma source(%arg8 : memref<8192xf32, #tpu.memory_space<vmem>>) target(%dma_start3A_36 : memref<8192xf32, #tpu.memory_space<hbm>>) target_semaphore(%run_scoped3A : memref<!tpu.dma_semaphore, #tpu.memory_space<semaphore_mem>>)
      %dma_wait3A_37 = arith.constant 0 : i32
      %dma_wait3A_38 = tpu.memref_slice %arg5[%add3A, %dma_wait3A_37] : memref<32x8192xf32, #tpu.memory_space<hbm>> -> memref<1x8192xf32, #tpu.memory_space<hbm>>
      %dma_wait3A_39 = tpu.memref_squeeze %dma_wait3A_38 : memref<1x8192xf32, #tpu.memory_space<hbm>> -> memref<8192xf32, #tpu.memory_space<hbm>>
      %dma_wait3A_40 = arith.constant 0 : i32
      %dma_wait3A_41 = tpu.memref_slice %arg5[%add3A, %dma_wait3A_40] : memref<32x8192xf32, #tpu.memory_space<hbm>> -> memref<1x8192xf32, #tpu.memory_space<hbm>>
      %dma_wait3A_42 = tpu.memref_squeeze %dma_wait3A_41 : memref<1x8192xf32, #tpu.memory_space<hbm>> -> memref<8192xf32, #tpu.memory_space<hbm>>
      tpu.wait_dma2 semaphore(%run_scoped3A : memref<!tpu.dma_semaphore, #tpu.memory_space<semaphore_mem>>) src(%arg8 : memref<8192xf32, #tpu.memory_space<vmem>>) dst(%dma_wait3A_42 : memref<8192xf32, #tpu.memory_space<hbm>>)
      tpu.yield
    }) : () -> ()
    %dma_wait3A_27 = arith.constant 0 : i32
    %dma_wait3A_28 = tpu.memref_slice %arg4[%mul3A_2, %dma_wait3A_27] : memref<16384x128xf32, #tpu.memory_space<hbm>> -> memref<512x128xf32, #tpu.memory_space<hbm>>
    %dma_wait3A_29 = arith.constant 0 : i32
    %dma_wait3A_30 = tpu.memref_slice %arg4[%mul3A_2, %dma_wait3A_29] : memref<16384x128xf32, #tpu.memory_space<hbm>> -> memref<512x128xf32, #tpu.memory_space<hbm>>
    tpu.wait_dma2 semaphore(%arg10 : memref<!tpu.dma_semaphore, #tpu.memory_space<semaphore_mem>>) src(%arg7 : memref<512x128xf32, #tpu.memory_space<vmem>>) dst(%dma_wait3A_30 : memref<512x128xf32, #tpu.memory_space<hbm>>)
    return
  }
}

module attributes {stable_mosaic.version = 14 : i64} {
  func.func @_loss_body(%arg0: i32, %arg1: memref<256x128xf32, #tpu.memory_space<vmem>>, %arg2: memref<256x64xf32, #tpu.memory_space<vmem>>, %arg3: memref<1x1x1xf32, #tpu.memory_space<vmem>>) attributes {dimension_semantics = [#tpu.dimension_semantics<arbitrary>], iteration_bounds = array<i64: 64>, scalar_prefetch = 0 : i64, scratch_operands = 0 : i64, tpu.core_type = #tpu.core_type<tc>, window_params = [{transform_indices = @transform_0, window_bounds = array<i64: 256, 128>}, {transform_indices = @transform_1, window_bounds = array<i64: 256, 64>}, {transform_indices = @transform_2, window_bounds = array<i64: 1, 1, 1>}]} {
    %get3A = arith.constant 0 : index
    %get3A_0 = arith.constant 0 : index
    %get3A_1 = vector.load %arg1[%get3A, %get3A_0] : memref<256x128xf32, #tpu.memory_space<vmem>>, vector<256x64xf32>
    %get3A_2 = arith.constant 0 : index
    %get3A_3 = arith.constant 0 : index
    %get3A_4 = vector.load %arg2[%get3A_2, %get3A_3] : memref<256x64xf32, #tpu.memory_space<vmem>>, vector<256x64xf32>
    %sub3A = arith.subf %get3A_1, %get3A_4 : vector<256x64xf32>
    %mul3A = arith.mulf %sub3A, %sub3A : vector<256x64xf32>
    %reduce_sum3A = vector.shape_cast %mul3A : vector<256x64xf32> to vector<1x256x64xf32>
    %reduce_sum3A_5 = arith.constant dense<0.000000e+00> : vector<1xf32>
    %reduce_sum3A_6 = vector.multi_reduction <add>, %reduce_sum3A, %reduce_sum3A_5 [1, 2] : vector<1x256x64xf32> to vector<1xf32>
    %reduce_sum3A_7 = vector.shape_cast %reduce_sum3A_6 : vector<1xf32> to vector<1x1x1xf32>
    %reduce_sum3A_8 = vector.extract %reduce_sum3A_7[0, 0, 0] : f32 from vector<1x1x1xf32>
    %reshape3A = vector.broadcast %reduce_sum3A_8 : f32 to vector<1x1x1xf32>
    %swap3A = arith.constant 0 : index
    %swap3A_9 = arith.constant 0 : index
    %swap3A_10 = arith.constant 0 : index
    %swap3A_11 = vector.load %arg3[%swap3A, %swap3A_9, %swap3A_10] : memref<1x1x1xf32, #tpu.memory_space<vmem>>, vector<1x1x1xf32>
    tpu.vector_store %arg3[%swap3A, %swap3A_9, %swap3A_10], %reshape3A {strides = array<i32>} : memref<1x1x1xf32, #tpu.memory_space<vmem>>, vector<1x1x1xf32>,
    return
  }
  func.func @transform_0(%arg0: i32) -> (i32, i32) {
    %c0_i32 = arith.constant 0 : i32
    %c0_i32_0 = arith.constant 0 : i32
    return %arg0, %c0_i32 : i32, i32
  }
  func.func @transform_1(%arg0: i32) -> (i32, i32) {
    %c0_i32 = arith.constant 0 : i32
    %c0_i32_0 = arith.constant 0 : i32
    return %arg0, %c0_i32 : i32, i32
  }
  func.func @transform_2(%arg0: i32) -> (i32, i32, i32) {
    %c0_i32 = arith.constant 0 : i32
    %c0_i32_0 = arith.constant 0 : i32
    %c0_i32_1 = arith.constant 0 : i32
    return %arg0, %c0_i32, %c0_i32_0 : i32, i32, i32
  }
}

module attributes {stable_mosaic.version = 14 : i64} {
  func.func @_finalize_body(%arg0: memref<32x8192xf32, #tpu.memory_space<vmem>>, %arg1: memref<64x1xf32, #tpu.memory_space<vmem>>, %arg2: memref<1x1xf32, #tpu.memory_space<vmem>>, %arg3: memref<1x1xf32, #tpu.memory_space<vmem>>, %arg4: memref<1x1xf32, #tpu.memory_space<vmem>>) attributes {dimension_semantics = [], scalar_prefetch = 0 : i64, scratch_operands = 0 : i64, tpu.core_type = #tpu.core_type<tc>} {
    %get3A = arith.constant 0 : index
    %get3A_0 = arith.constant 0 : index
    %get3A_1 = vector.load %arg0[%get3A, %get3A_0] : memref<32x8192xf32, #tpu.memory_space<vmem>>, vector<32x8192xf32>
    %reduce_sum3A = arith.constant dense<0.000000e+00> : vector<8192xf32>
    %reduce_sum3A_2 = vector.multi_reduction <add>, %get3A_1, %reduce_sum3A [0] : vector<32x8192xf32> to vector<8192xf32>
    %broadcast_in_dim3A = vector.shape_cast %reduce_sum3A_2 : vector<8192xf32> to vector<1x8192xf32>
    %reduce_sum3A_3 = vector.shape_cast %broadcast_in_dim3A : vector<1x8192xf32> to vector<1x1x8192xf32>
    %reduce_sum3A_4 = arith.constant dense<0.000000e+00> : vector<1xf32>
    %reduce_sum3A_5 = vector.multi_reduction <add>, %reduce_sum3A_3, %reduce_sum3A_4 [1, 2] : vector<1x1x8192xf32> to vector<1xf32>
    %reduce_sum3A_6 = vector.shape_cast %reduce_sum3A_5 : vector<1xf32> to vector<1x1x1xf32>
    %reduce_sum3A_7 = vector.extract %reduce_sum3A_6[0, 0, 0] : f32 from vector<1x1x1xf32>
    %add3A = arith.constant 9.99999993E-9 : f32
    %add3A_8 = arith.addf %reduce_sum3A_7, %add3A : f32
    %div3A = vector.broadcast %add3A_8 : f32 to vector<1x8192xf32>
    %div3A_9 = arith.divf %broadcast_in_dim3A, %div3A : vector<1x8192xf32>
    %add3A_10 = arith.constant 9.99999993E-9 : f32
    %add3A_11 = vector.broadcast %add3A_10 : f32 to vector<1x8192xf32>
    %add3A_12 = arith.addf %div3A_9, %add3A_11 : vector<1x8192xf32>
    %log3A = math.log %add3A_12 : vector<1x8192xf32>
    %mul3A = arith.mulf %div3A_9, %log3A : vector<1x8192xf32>
    %reduce_sum3A_13 = vector.shape_cast %mul3A : vector<1x8192xf32> to vector<1x1x8192xf32>
    %reduce_sum3A_14 = arith.constant dense<0.000000e+00> : vector<1xf32>
    %reduce_sum3A_15 = vector.multi_reduction <add>, %reduce_sum3A_13, %reduce_sum3A_14 [1, 2] : vector<1x1x8192xf32> to vector<1xf32>
    %reduce_sum3A_16 = vector.shape_cast %reduce_sum3A_15 : vector<1xf32> to vector<1x1x1xf32>
    %reduce_sum3A_17 = vector.extract %reduce_sum3A_16[0, 0, 0] : f32 from vector<1x1x1xf32>
    %neg3A = arith.constant 0.000000e+00 : f32
    %neg3A_18 = arith.subf %neg3A, %reduce_sum3A_17 : f32
    %exp3A = math.exp %neg3A_18 : f32
    %reshape3A = vector.broadcast %exp3A : f32 to vector<1x1xf32>
    %swap3A = arith.constant 0 : index
    %swap3A_19 = arith.constant 0 : index
    %swap3A_20 = vector.load %arg2[%swap3A, %swap3A_19] : memref<1x1xf32, #tpu.memory_space<vmem>>, vector<1x1xf32>
    tpu.vector_store %arg2[%swap3A, %swap3A_19], %reshape3A {strides = array<i32>} : memref<1x1xf32, #tpu.memory_space<vmem>>, vector<1x1xf32>,
    %get3A_21 = arith.constant 0 : index
    %get3A_22 = arith.constant 0 : index
    %get3A_23 = vector.load %arg1[%get3A_21, %get3A_22] : memref<64x1xf32, #tpu.memory_space<vmem>>, vector<64x1xf32>
    %reduce_sum3A_24 = vector.shape_cast %get3A_23 : vector<64x1xf32> to vector<1x64x1xf32>
    %reduce_sum3A_25 = arith.constant dense<0.000000e+00> : vector<1xf32>
    %reduce_sum3A_26 = vector.multi_reduction <add>, %reduce_sum3A_24, %reduce_sum3A_25 [1, 2] : vector<1x64x1xf32> to vector<1xf32>
    %reduce_sum3A_27 = vector.shape_cast %reduce_sum3A_26 : vector<1xf32> to vector<1x1x1xf32>
    %reduce_sum3A_28 = vector.extract %reduce_sum3A_27[0, 0, 0] : f32 from vector<1x1x1xf32>
    %div3A_29 = arith.constant 0x49800000 : f32
    %div3A_30 = arith.divf %reduce_sum3A_28, %div3A_29 : f32
    %reshape3A_31 = vector.broadcast %div3A_30 : f32 to vector<1x1xf32>
    %swap3A_32 = arith.constant 0 : index
    %swap3A_33 = arith.constant 0 : index
    %swap3A_34 = vector.load %arg3[%swap3A_32, %swap3A_33] : memref<1x1xf32, #tpu.memory_space<vmem>>, vector<1x1xf32>
    tpu.vector_store %arg3[%swap3A_32, %swap3A_33], %reshape3A_31 {strides = array<i32>} : memref<1x1xf32, #tpu.memory_space<vmem>>, vector<1x1xf32>,
    %mul3A_35 = arith.constant 2.500000e-01 : f32
    %mul3A_36 = arith.mulf %mul3A_35, %div3A_30 : f32
    %add3A_37 = arith.addf %div3A_30, %mul3A_36 : f32
    %reshape3A_38 = vector.broadcast %add3A_37 : f32 to vector<1x1xf32>
    %swap3A_39 = arith.constant 0 : index
    %swap3A_40 = arith.constant 0 : index
    %swap3A_41 = vector.load %arg4[%swap3A_39, %swap3A_40] : memref<1x1xf32, #tpu.memory_space<vmem>>, vector<1x1xf32>
    tpu.vector_store %arg4[%swap3A_39, %swap3A_40], %reshape3A_38 {strides = array<i32>} : memref<1x1xf32, #tpu.memory_space<vmem>>, vector<1x1xf32>,
    return
  }
}

</mosaic_0001>

<sc_bundles>
// kernel: kernel.5.cloned.1.call-start
scs
__scs_entry_jumppad:
0x0: {  	(pc) =	sbr.rel $0x88, $3  }
0x1: {  	(tag) =	ssettag $0x0;
	lr =	simm.s32 $0x1  }
0x2: {  	[smem:$0x3F9F] =	sst lr;
	_ =	strace $0xD0000000  }
0x3: {  	_ = 	snop  }
0x4: {  	_ = 	snop  }
0x5: {  	_ = 	snop  }
0x6: {  	_ = 	snop  }
0x7: {  	_ = 	snop  }
__scs_overlays_trampoline_lowered:
0x8: {  	[smem:$0x3FAE] =	sst s0  }
0x9: {  	[smem:$0x3FAF] =	sst s1  }
0xa: {  	[smem:$0x3FB0] =	sst s2  }
0xb: {  	[smem:$0x3FB1] =	sst s3  }
0xc: {  	[smem:$0x3FB2] =	sst s4  }
0xd: {  	[smem:$0x3FB3] =	sst s5  }
0xe: {  	[smem:$0x3FB4] =	sst s6  }
0xf: {  	[smem:$0x3FB5] =	sst s7  }
0x10: {  	[smem:$0x3FB6] =	sst s8  }
0x11: {  	[smem:$0x3FB7] =	sst s9;
	s0 =	simm.s32 @!p0 $0x0  }
0x12: {  	s1 =	sld [smem:$0x3F9D];
	s0 =	simm.s32 @p0 $0x1  }
0x13: {  	[smem:$0x3FB8] =	sst s0;
	s0 =	simm.s32 @!p1 $0x0  }
0x14: {  	s2 =	sld [smem:$0x3F9C];
	s0 =	simm.s32 @p1 $0x1  }
0x15: {  	[smem:$0x3FB9] =	sst s0;
	s0 =	simm.s32 @!p2 $0x0  }
0x16: {  	s3 =	sld [smem:$0x3FDB];
	s0 =	simm.s32 @p2 $0x1  }
0x17: {  	s4 =	simm.s32 $0x1BF5;
	[smem:$0x3FBB] =	sst s0  }
0x18: {  	s0 =	sld [smem:$0x3F9E];
	_ =	swait.ge [sflag:s4], $0x0  }
0x19: {  	s7 =	sld [smem:$0x3F9F]  }
0x1a: {  	s8 =	sadd.s32 $0xFFFFE003, lr  }
0x1b: {  	s9 =	sadd.s32 $0xFFFFFEF7, lr;
	s5 =	simm.s32 $0xFFFFFFFF;
	p2 =	slt.u32 s8, $0xFFFFF086  }
0x1c: {  	p1 =	slt.u32 s9, $0xF7A;
	s5 =	simm.s32 @!p2 $0x0  }
0x1d: {  	s5 =	simm.s32 @p1 $0x1;
	p0 =	seq.s32 s7, s2  }
0x1e: {  	s7 =	smul.u32 @!p0 $0xF7A, s2;
	p2 =	seq.s32 @!p0 s5, $0x0  }
0x1f: {  	s9 =	smul.u32 $0xF7A, s1;
	s8 =	simm.s32 @!p0 $0x1BF5;
	p2 =	por !p2, p0  }
0x20: {  	[sflag:s8] =	ssyncset.s32 @!p0 $0xFFFFF086;
	s6 =	sadd.s32 @!p0 s3, s7;
	s7 =	simm.s32 @!p0 $0x108  }
0x21: {  	s3 =	sadd.s32 s3, s9;
	s6 =	sadd.s32 @!p0 $0x88, s6;
	s7 =	simm.s32 @p2 $0x1082  }
0x22: {  	[simem:s7], [sflag:s8] =	dma.local @!p0 [hbm:s6], $0xF7A  }
0x23: {  	s9 =	sor.u32 $0xD0000000, s2;
	s6 =	simm.s32 $0x108;
	_ =	swait.ge @!p0 [sflag:s8], $0x0  }
0x24: {  	s3 =	sadd.s32 $0x88, s3;
	s6 =	simm.s32 @!p1 $0x1082;
	[sflag:s4] =	ssyncset.s32 $0xFFFFF086  }
0x25: {  	[simem:s6], [sflag:s4] =	dma.local [hbm:s3], $0xF7A  }
0x26: {  	[smem:$0x3F9F] =	sst s1;
	(tag) =	ssettag s2;
	_ =	strace s9  }
0x27: {  	s1 =	sld [smem:$0x3FAF]  }
0x28: {  	s2 =	sld [smem:$0x3FB0]  }
0x29: {  	s4 =	sld [smem:$0x3FB2]  }
0x2a: {  	p0 =	seq.s32 s5, $0x0;
	s5 =	sld [smem:$0x3FB3]  }
0x2b: {  	s6 =	sld [smem:$0x3FB4]  }
0x2c: {  	s7 =	sld [smem:$0x3FB5]  }
0x2d: {  	s3 =	simm.s32 $0x108;
	s8 =	sld [smem:$0x3FB6]  }
0x2e: {  	s3 =	simm.s32 @!p0 $0x1082;
	s9 =	sld [smem:$0x3FB7]  }
0x2f: {  	lr =	sadd.s32 s0, s3;
	s0 =	sld [smem:$0x3FAE]  }
0x30: {  	s3 =	sld [smem:$0x3FB1]  }
0x31: {  	[smem:$0x3FBA] =	sst s10  }
0x32: {  	s10 =	sld [smem:$0x3FB8];
	_ =	sdelay $0x3  }
0x33: {  	p0 =	seq.s32 s10, $0x1;
	s10 =	sld [smem:$0x3FBA];
	_ =	sdelay $0x3  }
0x34: {  	[smem:$0x3FBA] =	sst s10  }
0x35: {  	s10 =	sld [smem:$0x3FB9];
	_ =	sdelay $0x3  }
0x36: {  	p1 =	seq.s32 s10, $0x1;
	s10 =	sld [smem:$0x3FBA];
	_ =	sdelay $0x3  }
0x37: {  	[smem:$0x3FBA] =	sst s10  }
0x38: {  	s10 =	sld [smem:$0x3FBB]  }
0x39: {  	_ = 	snop;
	(pc) =	sbr.ind lr, $3  }
0x3a: {  	_ = 	snop  }
0x3b: {  	_ = 	snop  }
0x3c: {  	p2 =	seq.s32 s10, $0x1;
	s10 =	sld [smem:$0x3FBA]  }
0x3d: {  	_ =	shalt  }
0x3e: {  	_ =	shalt  }
0x3f: {  	_ =	shalt  }
0x40: {  	_ =	shalt  }
0x41: {  	_ =	shalt  }
0x42: {  	_ =	shalt  }
0x43: {  	_ =	shalt  }
0x44: {  	_ =	shalt  }
0x45: {  	_ =	shalt  }
0x46: {  	_ =	shalt  }
0x47: {  	_ =	shalt  }
0x48: {  	_ =	shalt  }
0x49: {  	_ =	shalt  }
0x4a: {  	_ =	shalt  }
0x4b: {  	_ =	shalt  }
0x4c: {  	_ =	shalt  }
0x4d: {  	_ =	shalt  }
0x4e: {  	_ =	shalt  }
0x4f: {  	_ =	shalt  }
0x50: {  	_ =	shalt  }
0x51: {  	_ =	shalt  }
0x52: {  	_ =	shalt  }
0x53: {  	_ =	shalt  }
0x54: {  	_ =	shalt  }
0x55: {  	_ =	shalt  }
0x56: {  	_ =	shalt  }
0x57: {  	_ =	shalt  }
0x58: {  	_ =	shalt  }
0x59: {  	_ =	shalt  }
0x5a: {  	_ =	shalt  }
0x5b: {  	_ =	shalt  }
0x5c: {  	_ =	shalt  }
0x5d: {  	_ =	shalt  }
0x5e: {  	_ =	shalt  }
0x5f: {  	_ =	shalt  }
0x60: {  	_ =	shalt  }
0x61: {  	_ =	shalt  }
0x62: {  	_ =	shalt  }
0x63: {  	_ =	shalt  }
0x64: {  	_ =	shalt  }
0x65: {  	_ =	shalt  }
0x66: {  	_ =	shalt  }
0x67: {  	_ =	shalt  }
0x68: {  	_ =	shalt  }
0x69: {  	_ =	shalt  }
0x6a: {  	_ =	shalt  }
0x6b: {  	_ =	shalt  }
0x6c: {  	_ =	shalt  }
0x6d: {  	_ =	shalt  }
0x6e: {  	_ =	shalt  }
0x6f: {  	_ =	shalt  }
0x70: {  	_ =	shalt  }
0x71: {  	_ =	shalt  }
0x72: {  	_ =	shalt  }
0x73: {  	_ =	shalt  }
0x74: {  	_ =	shalt  }
0x75: {  	_ =	shalt  }
0x76: {  	_ =	shalt  }
0x77: {  	_ =	shalt  }
0x78: {  	_ =	shalt  }
0x79: {  	_ =	shalt  }
0x7a: {  	_ =	shalt  }
0x7b: {  	_ =	shalt  }
0x7c: {  	_ =	shalt  }
0x7d: {  	_ =	shalt  }
0x7e: {  	_ =	shalt  }
0x7f: {  	_ =	shalt  }
0x80: {  	_ =	shalt  }
0x81: {  	_ =	shalt  }
0x82: {  	_ =	shalt  }
0x83: {  	_ =	shalt  }
0x84: {  	_ =	shalt  }
0x85: {  	_ =	shalt  }
0x86: {  	_ =	shalt  }
0x87: {  	_ =	shalt  }
.Lfunc_end0:
.L_simem_size_0:
called_computation_lowered:
.L_overlay_start_0:
0x88: {  	s2 =	sld [smem:$0x3FD9]  }
0x89: {  	s3 =	sld [smem:$0x3FFE];
	_ =	sdelay $0x1  }
0x8a: {  	s1 =	srdreg.scid  }
0x8b: {  	s0 =	sand.u32 $0x1, s1  }
0x8c: {  	s14 =	sshll.u32 s0, $0xA;
	s2 =	sadd.s32 s3, s2  }
0x8d: {  	s2 =	sadd.s32 s2, s14  }
0x8e: {  	[smem:$0x3FC6] =	sst s2  }
0x8f: {  	_ = 	snop  }
0x90: {  	s2 =	sld [smem:$0x3FD0];
	_ =	sdelay $0x2  }
0x91: {  	s15 =	simm.s32 $0xA;
	s4 =	simm.s32 $0x10  }
0x92: {  	[smem:s4], [sflag:s15] =	dma.local [hbm:s2], $0x1  }
0x93: {  	_ =	swait.eq [sflag:s15], $0x1  }
0x94: {  	[sflag:s15] =	ssyncset.done $0x0  }
0x95: {  	s16 =	sld [smem:$0x10];
	[sflag:s15] =	ssyncadd.s32 $0xFFFFFFFF  }
0x96: {  	s17 =	sld [smem:$0x11];
	(tm) =	ssettm $0x1  }
0x97: {  	s18 =	sld [smem:$0x3FFB];
	_ =	sdelay $0x3  }
0x98: {  	_ =	strace s18  }
0x99: {  	s4 =	sld [smem:$0x3FFC];
	_ =	sdelay $0x3  }
0x9a: {  	_ =	strace s4  }
0x9b: {  	s4 =	sld [smem:$0x3FFD];
	_ =	sdelay $0x3  }
0x9c: {  	_ =	strace s4  }
0x9d: {  	_ =	strace $0x8FFFFFFF  }
0x9e: {  	s19 =	sld [smem:$0x3FDB];
	_ =	sdelay $0x1  }
0x9f: {  	s5 =	simm.s32 $_scs_section_size  }
0xa0: {  	s6 =	simm.s32 $_size__tile_overlayer_lowered;
	s7 =	simm.s32 $_tile_overlayer_lowered  }
0xa1: {  	s22 =	simm.s32 $0x1BFF;
	s21 =	sshll.u32 s7, $0x1;
	s4 =	sadd.s32 s5, s19  }
0xa2: {  	s8 =	simm.s32 $0x0;
	s20 =	sshll.u32 s6, $0x1;
	s6 =	sadd.s32 s21, s4  }
0xa3: {  	[timem:s8], [sflag:s22] =	dma.local [hbm:s6], s20  }
0xa4: {  	_ =	swait.ge [sflag:s22], s20  }
0xa5: {  	s5 =	ssub.s32 $0x0, s20;
	[sflag:s22] =	ssyncset.done $0x0  }
0xa6: {  	[sflag:s22] =	ssyncadd.s32 s5;
	_ =	sdelay $0x1  }
0xa7: {  	s23 =	simm.s32 $0x1B8B  }
0xa8: {  	_ =	swait.ge [sflag:s23], $0x1  }
0xa9: {  	[sflag:s23] =	ssyncset.done $0x0  }
0xaa: {  	s25 =	simm.s32 $0x1B8E;
	s24 =	sld [smem:$0x3FFE];
	[sflag:s23] =	ssyncadd.s32 $0xFFFFFFFF  }
0xab: {  	s26 =	simm.s32 $execute0_lowered;
	[smem:$0x3FD2] =	sst s25  }
0xac: {  	s6 =	sshll.u32 s26, $0x1;
	_ =	strace $0x80000046;
	[dreg:$0x1] =	wrdreg $0xFFFFFFFF  }
0xad: {  	s28 =	simm.s32 $_size_execute0_lowered;
	s4 =	sadd.s32 s4, s6;
	[dreg:$0x0] =	wrdreg $0x0  }
0xae: {  	s6 =	sshll.u32 s28, $0x1;
	[dreg:$0x2] =	wrdreg s4  }
0xaf: {  	[dreg:$0x3] =	wrdreg s6  }
0xb0: {  	[dreg:$0x4] =	wrdreg $0xC0  }
0xb1: {  	_ =	task [dreg:s8], $0x5FFFF  }
0xb2: {  	[dreg:$0x1] =	wrdreg $0xFFFFFFFF  }
0xb3: {  	[dreg:$0x0] =	wrdreg $0x60  }
0xb4: {  	[dreg:$0x2] =	wrdreg s24  }
0xb5: {  	[dreg:$0x3] =	wrdreg s17  }
0xb6: {  	[dreg:$0x4] =	wrdreg s16  }
0xb7: {  	[dreg:$0x5] =	wrdreg $0x9  }
0xb8: {  	_ =	task.clear_ibuf [dreg:s8], $0x6FFFF;
	_ =	strace $0x90000046  }
0xb9: {  	s29 =	simm.s32 $0x9;
	_ =	strace $0x80000048  }
0xba: {  	_ =	swait.ge [sflag:s29], $0x1  }
0xbb: {  	[sflag:s29] =	ssyncadd.s32 $0xFFFFFFFF  }
0xbc: {  	_ =	strace $0x90000048  }
0xbd: {  	_ =	sfence  }
0xbe: {  	s30 =	sld [smem:$0x0];
	_ =	sdelay $0x2  }
0xbf: {  	s31 =	sshll.u32 s1, $0xD;
	s1 =	sshrl.u32 s1, $0x2  }
0xc0: {  	s3 =	sand.u32 $0x4000, s31;
	s1 =	sadd.s32 s1, s30  }
0xc1: {  	s0 =	sor.u32 s3, s0;
	s1 =	sshll.u32 s1, $0x11  }
0xc2: {  	s0 =	sor.u32 s1, s0  }
0xc3: {  	s0 =	sadd.s32 $0x8F2B, s0  }
0xc4: {  	[sflag:s0] =	ssyncadd.remote.s32 $0x1  }
0xc5: {  	_ =	sfence.sel $0xFFFF  }
0xc6: {  	[dreg:$0x0] =	wrdreg $0xFFFFFFFF;
	(pc) =	sbr.abs _section_cstart, $3  }
0xc7: {  	[dreg:$0x1] =	wrdreg $0xFFFFFFFF  }
0xc8: {  	_ =	task.clear_ibuf [dreg:s8], $0x2FFFF;
	_ =	strace $0x9FFFFFFF  }
0xc9: {  	(tm) =	ssettm $0x7FFFFFFF  }
tec
execute0_lowered:
.L_overlay_start_1:
0x0: {  	(tag) =	ssettag $0x1  }
0x1: {  	s4 =	rddreg [dreg:$0x0]  }
0x2: {  	s2 =	rddreg [dreg:$0x1]  }
0x3: {  	s1 =	srdreg.scid;
	s0 =	stileid.u32  }
0x4: {  	s6 =	rddreg [dreg:$0x2];
	s3 =	simm.s32 $0x0;
	s11 =	simm.s32 $0x1  }
0x5: {  	s12 =	simm.s32 $0x80;
	s13 =	simm.s32 $0x400;
	s14 =	simm.s32 $0x2  }
0x6: {  	s5 =	sand.u32 $0x1, s1;
	s7 =	sshll.u32 s0, $0x1;
	s1 =	rddreg [dreg:$0x3]  }
0x7: {  	s15 =	simm.s32 $0x0;
	[smem:$0x7FF] =	sst s3;
	s7 =	sor.u32 s5, s7  }
0x8: {  	_ =	strace $0x80000047;
	s5 =	ssub.s32 $0x2, s5;
	s8 =	sshll.u32 s7, $0xD  }
0x9: {  	s9 =	sshll.u32 s7, $0x7;
	s10 =	sshrl.u32 s5, $0x1;
	s30 =	sshll.u32 s7, $0x6  }
0xa: {  	s9 =	sor.u32 s9, s8;
	s8 =	sadd.s32 s8, s4;
	s10 =	ssub.s32 s5, s10  }
0xb: {  	s4 =	sadd.s32 s4, s30;
	s9 =	sand.u32 $0x30380, s9;
	s5 =	sadd.s32 $0x800, s8  }
0xc: {  	s7 =	smax.u32 s10, $0x1;
	s8 =	simm.s32 $0x3;
	s31 =	sshrl.u32 s9, $0x3  }
0xd: {  	v0 =	vimm.f32 $0.0e+00;
	v1 =	vimm.f32 $1.000000000e+00;
	s10 =	simm.s32 $0x10200;
	s9 =	simm.s32 $0x200;
	s6 =	sadd.s32 s6, s31  }
.LBB2_1:
0xe: {  	[tilespmem:s3], [sflag:$0x3] =	stream.linear.gather [hbm4b:s4+s3], $0x200, $0x38;
	[tilespmem:$0x12200] =	vst v63  }
0xf: {  	_ =	swait.ge [sflag:s8], $0x200  }
0x10: {  	[sflag:s8] =	ssyncset.done $0x0  }
0x11: {  	s17 =	simm.s32 $0x100;
	s16 =	simm.s32 $0x0;
	[sflag:s8] =	ssyncadd.s32 $0xFFFFFE00  }
0x12: {  	[tilespmem:s9], [sflag:$0x1] =	stream.indirect.gather [hbm4b:s2+s9], $0x80, s3, s9, $0xb8;
	[tilespmem:$0x12200] =	vst v63  }
.LBB2_2:
0x13: {  	p0 =	sne.s32 s17, $0x7F00;
	[tilespmem:s16+$0x10230] =	vst v0;
	s18 =	smov.u32 s17;
	s17 =	sadd.s32 $0x100, s17  }
.Ltmp0:
0x14: {  	[tilespmem:s16+$0x10220] =	vst v0;
	(pc) =	sbr.rel @p0 .LBB2_2-.Ltmp0, $3  }
0x15: {  	[tilespmem:s16+$0x10200] =	vst v0  }
0x16: {  	[tilespmem:s16+$0x10210] =	vst v0;
	_ =	sdelay $0x1  }
0x17: {  	s16 =	sshra.s32 s18, $0x2  }
0x18: {  	[tilespmem:s16+$0x10230] =	vst v0  }
0x19: {  	[tilespmem:s16+$0x10220] =	vst v0  }
0x1a: {  	[tilespmem:s16+$0x10200] =	vst v0  }
0x1b: {  	[tilespmem:s16+$0x10210] =	vst v0  }
0x1c: {  	v2 =	vld [tilespmem:$0x0];
	_ =	sdelay $0x7  }
0x1d: {  	[tilespmem:v2+s10+$0x0] =	vst.idx.add.f32.msk $0xffff, v1  }
0x1e: {  	v2 =	vld [tilespmem:$0x10];
	_ =	sdelay $0x7  }
0x1f: {  	[tilespmem:v2+s10+$0x0] =	vst.idx.add.f32.msk $0xffff, v1  }
0x20: {  	v2 =	vld [tilespmem:$0x20];
	_ =	sdelay $0x7  }
0x21: {  	[tilespmem:v2+s10+$0x0] =	vst.idx.add.f32.msk $0xffff, v1  }
0x22: {  	v2 =	vld [tilespmem:$0x30];
	_ =	sdelay $0x7  }
0x23: {  	[tilespmem:v2+s10+$0x0] =	vst.idx.add.f32.msk $0xffff, v1  }
0x24: {  	v2 =	vld [tilespmem:$0x40];
	_ =	sdelay $0x7  }
0x25: {  	[tilespmem:v2+s10+$0x0] =	vst.idx.add.f32.msk $0xffff, v1  }
0x26: {  	v2 =	vld [tilespmem:$0x50];
	_ =	sdelay $0x7  }
0x27: {  	[tilespmem:v2+s10+$0x0] =	vst.idx.add.f32.msk $0xffff, v1  }
0x28: {  	v2 =	vld [tilespmem:$0x60];
	_ =	sdelay $0x7  }
0x29: {  	[tilespmem:v2+s10+$0x0] =	vst.idx.add.f32.msk $0xffff, v1  }
0x2a: {  	v2 =	vld [tilespmem:$0x70];
	_ =	sdelay $0x7  }
0x2b: {  	[tilespmem:v2+s10+$0x0] =	vst.idx.add.f32.msk $0xffff, v1  }
0x2c: {  	v2 =	vld [tilespmem:$0x80];
	_ =	sdelay $0x7  }
0x2d: {  	[tilespmem:v2+s10+$0x0] =	vst.idx.add.f32.msk $0xffff, v1  }
0x2e: {  	v2 =	vld [tilespmem:$0x90];
	_ =	sdelay $0x7  }
0x2f: {  	[tilespmem:v2+s10+$0x0] =	vst.idx.add.f32.msk $0xffff, v1  }
0x30: {  	v2 =	vld [tilespmem:$0xA0];
	_ =	sdelay $0x7  }
0x31: {  	[tilespmem:v2+s10+$0x0] =	vst.idx.add.f32.msk $0xffff, v1  }
0x32: {  	v2 =	vld [tilespmem:$0xB0];
	_ =	sdelay $0x7  }
0x33: {  	[tilespmem:v2+s10+$0x0] =	vst.idx.add.f32.msk $0xffff, v1  }
0x34: {  	v2 =	vld [tilespmem:$0xC0];
	_ =	sdelay $0x7  }
0x35: {  	[tilespmem:v2+s10+$0x0] =	vst.idx.add.f32.msk $0xffff, v1  }
0x36: {  	v2 =	vld [tilespmem:$0xD0];
	_ =	sdelay $0x7  }
0x37: {  	[tilespmem:v2+s10+$0x0] =	vst.idx.add.f32.msk $0xffff, v1  }
0x38: {  	v2 =	vld [tilespmem:$0xE0];
	_ =	sdelay $0x7  }
0x39: {  	[tilespmem:v2+s10+$0x0] =	vst.idx.add.f32.msk $0xffff, v1  }
0x3a: {  	v2 =	vld [tilespmem:$0xF0];
	_ =	sdelay $0x7  }
0x3b: {  	[tilespmem:v2+s10+$0x0] =	vst.idx.add.f32.msk $0xffff, v1  }
0x3c: {  	v2 =	vld [tilespmem:$0x100];
	_ =	sdelay $0x7  }
0x3d: {  	[tilespmem:v2+s10+$0x0] =	vst.idx.add.f32.msk $0xffff, v1  }
0x3e: {  	v2 =	vld [tilespmem:$0x110];
	_ =	sdelay $0x7  }
0x3f: {  	[tilespmem:v2+s10+$0x0] =	vst.idx.add.f32.msk $0xffff, v1  }
0x40: {  	v2 =	vld [tilespmem:$0x120];
	_ =	sdelay $0x7  }
0x41: {  	[tilespmem:v2+s10+$0x0] =	vst.idx.add.f32.msk $0xffff, v1  }
0x42: {  	v2 =	vld [tilespmem:$0x130];
	_ =	sdelay $0x7  }
0x43: {  	[tilespmem:v2+s10+$0x0] =	vst.idx.add.f32.msk $0xffff, v1  }
0x44: {  	v2 =	vld [tilespmem:$0x140];
	_ =	sdelay $0x7  }
0x45: {  	[tilespmem:v2+s10+$0x0] =	vst.idx.add.f32.msk $0xffff, v1  }
0x46: {  	v2 =	vld [tilespmem:$0x150];
	_ =	sdelay $0x7  }
0x47: {  	[tilespmem:v2+s10+$0x0] =	vst.idx.add.f32.msk $0xffff, v1  }
0x48: {  	v2 =	vld [tilespmem:$0x160];
	_ =	sdelay $0x7  }
0x49: {  	[tilespmem:v2+s10+$0x0] =	vst.idx.add.f32.msk $0xffff, v1  }
0x4a: {  	v2 =	vld [tilespmem:$0x170];
	_ =	sdelay $0x7  }
0x4b: {  	[tilespmem:v2+s10+$0x0] =	vst.idx.add.f32.msk $0xffff, v1  }
0x4c: {  	v2 =	vld [tilespmem:$0x180];
	_ =	sdelay $0x7  }
0x4d: {  	[tilespmem:v2+s10+$0x0] =	vst.idx.add.f32.msk $0xffff, v1  }
0x4e: {  	v2 =	vld [tilespmem:$0x190];
	_ =	sdelay $0x7  }
0x4f: {  	[tilespmem:v2+s10+$0x0] =	vst.idx.add.f32.msk $0xffff, v1  }
0x50: {  	v2 =	vld [tilespmem:$0x1A0];
	_ =	sdelay $0x7  }
0x51: {  	[tilespmem:v2+s10+$0x0] =	vst.idx.add.f32.msk $0xffff, v1  }
0x52: {  	v2 =	vld [tilespmem:$0x1B0];
	_ =	sdelay $0x7  }
0x53: {  	[tilespmem:v2+s10+$0x0] =	vst.idx.add.f32.msk $0xffff, v1  }
0x54: {  	v2 =	vld [tilespmem:$0x1C0];
	_ =	sdelay $0x7  }
0x55: {  	[tilespmem:v2+s10+$0x0] =	vst.idx.add.f32.msk $0xffff, v1  }
0x56: {  	v2 =	vld [tilespmem:$0x1D0];
	_ =	sdelay $0x7  }
0x57: {  	[tilespmem:v2+s10+$0x0] =	vst.idx.add.f32.msk $0xffff, v1  }
0x58: {  	v2 =	vld [tilespmem:$0x1E0];
	_ =	sdelay $0x7  }
0x59: {  	[tilespmem:v2+s10+$0x0] =	vst.idx.add.f32.msk $0xffff, v1  }
0x5a: {  	v2 =	vld [tilespmem:$0x1F0];
	_ =	sdelay $0x7  }
0x5b: {  	[tilespmem:v2+s10+$0x0] =	vst.idx.add.f32.msk $0xffff, v1  }
0x5c: {  	_ =	swait.ge [sflag:s11], $0x10000  }
0x5d: {  	[sflag:s11] =	ssyncset.done $0x0  }
0x5e: {  	[sflag:s11] =	ssyncadd.s32 $0xFFFF0000  }
0x5f: {  	[hbm4b:s5+s3] =	stream.linear.scatter [tilespmem:s9], [sflag:$0x2], $0x10000, $0x38;
	[tilespmem:$0x12200] =	vst v63  }
0x60: {  	s15 =	sadd.s32 $0x1, s15  }
0x61: {  	[hbm4b:s6+s12] =	stream.strided.scatter [tilespmem:s10], [sflag:$0x3], $0x2000, s13, s12, $0x38;
	[tilespmem:$0x12200] =	vst v63  }
0x62: {  	p0 =	sne.s32 s15, s7;
	_ =	swait.ge [sflag:s8], $0x2000  }
.Ltmp1:
0x63: {  	[sflag:s8] =	ssyncset.done $0x0;
	(pc) =	sbr.rel @p0 .LBB2_1-.Ltmp1, $4  }
0x64: {  	[sflag:s8] =	ssyncadd.s32 $0xFFFFE000  }
0x65: {  	_ =	swait.ge [sflag:s14], $0x10000  }
0x66: {  	[sflag:s14] =	ssyncset.done $0x0  }
0x67: {  	[sflag:s14] =	ssyncadd.s32 $0xFFFF0000  }
0x68: {  	_ =	sfence.sel $0x180000  }
0x69: {  	[bflag:$0x0] =	sbarrier.arrive $0xFFFF  }
0x6a: {  	p0 =	sne.s32 s0, $0x0;
	_ =	strace $0x90000047  }
0x6b: {  	s0 =	sadd.s32 @!p0 $0x100000, s1;
	[bflag:$0x2] =	sbarrier.arrive $0xFFFF  }
0x6c: {  	[sflag:s0] =	ssyncadd.tile.s32 @!p0 $0x1;
	_ =	shalt  }
.Lfunc_end2:
_tile_overlayer_lowered:
.L_overlay_start_2:
0x6d: {  	(tag) =	ssettag $0x2  }
0x6e: {  	s0 =	rddreg [dreg:$0x0];
	s2 =	stileid.u32  }
0x6f: {  	s1 =	rddreg [dreg:$0x1];
	p0 =	sne.s32 s2, $0x0  }
0x70: {  	s3 =	rddreg [dreg:$0x2];
	[bflag:$0x3] =	sbarrier.arrive $0xFFFF;
	s2 =	simm.s32 @!p0 $0x1C03  }
0x71: {  	[timem:s3], [sflag:s2] =	dma.local @!p0 [hbm:s0], s1  }
0x72: {  	s0 =	simm.s32 @!p0 $0x3  }
0x73: {  	_ =	swait.ge @!p0 [sflag:s0], s1  }
0x74: {  	s1 =	ssub.s32 @!p0 $0x0, s1;
	[sflag:s0] =	ssyncset.done @!p0 $0x0  }
0x75: {  	[sflag:s0] =	ssyncadd.s32 @!p0 s1  }
0x76: {  	[bflag:$0x3] =	sbarrier.arrive $0xFFFF  }
0x77: {  	_ =	shalt  }

</sc_bundles>
